<compile_context>
chip_gen: v7x
topology: tpu7x:2x2x1
jax: 0.10.2.dev20260603
libtpu: 0.0.44.dev20260713+nightly
codegen_flags: <defaults>
</compile_context>

<pallas_src>
import functools

import jax
import jax.numpy as jnp
from jax import lax
from jax.experimental import pallas as pl
from jax.experimental.pallas import tpu as pltpu
from jax.experimental.pallas import tpu_sc as plsc

N_NODES = 100000
D = 128
NUM_SEGMENTS = 512
WIN = 128
NWIN = N_NODES // WIN
TAIL = N_NODES - NWIN * WIN


def _make_sc_segment_sum():
    info = plsc.get_sparse_core_info()
    nc, ns = info.num_cores, info.num_subcores
    nwk = nc * ns
    max_rounds = (NWIN + nwk - 1) // nwk
    rows_per_sub = NUM_SEGMENTS // ns

    mesh = plsc.VectorSubcoreMesh(core_axis_name="c", subcore_axis_name="s")

    @functools.partial(
        pl.kernel,
        mesh=mesh,
        out_type=jax.ShapeDtypeStruct((nc, NUM_SEGMENTS, D), jnp.float32),
        scratch_types=[
            pltpu.VMEM((WIN,), jnp.int32),
            pltpu.VMEM((TAIL,), jnp.int32),
            pltpu.VMEM((WIN, D), jnp.float32),
            pltpu.VMEM_SHARED((NUM_SEGMENTS, D), jnp.float32),
        ],
    )
    def seg_sum(x_hbm, idsm_hbm, idst_hbm, zrows_hbm, out_hbm,
                idxbuf, idxtail, xbuf, acc):
        c = lax.axis_index("c")
        s = lax.axis_index("s")
        wid = s * nc + c

        pltpu.sync_copy(zrows_hbm, xbuf.at[pl.ds(0, rows_per_sub)])
        pltpu.sync_copy(xbuf.at[pl.ds(0, rows_per_sub)],
                        acc.at[pl.ds(s * rows_per_sub, rows_per_sub)])
        plsc.subcore_barrier()

        def body(k, carry):
            g = wid + nwk * k

            @pl.when(g < NWIN)
            def _():
                pltpu.sync_copy(idsm_hbm.at[g], idxbuf)
                pltpu.sync_copy(x_hbm.at[pl.ds(g * WIN, WIN)], xbuf)
                pltpu.sync_copy(xbuf, acc.at[idxbuf], add=True)
            return carry

        lax.fori_loop(0, max_rounds, body, 0)

        @pl.when(wid == nwk - 1)
        def _():
            pltpu.sync_copy(idst_hbm, idxtail)
            pltpu.sync_copy(x_hbm.at[pl.ds(NWIN * WIN, TAIL)],
                            xbuf.at[pl.ds(0, TAIL)])
            pltpu.sync_copy(xbuf.at[pl.ds(0, TAIL)], acc.at[idxtail], add=True)

        plsc.subcore_barrier()

        pltpu.sync_copy(acc.at[pl.ds(s * rows_per_sub, rows_per_sub)],
                        xbuf.at[pl.ds(0, rows_per_sub)])
        pltpu.sync_copy(xbuf.at[pl.ds(0, rows_per_sub)],
                        out_hbm.at[c, pl.ds(s * rows_per_sub, rows_per_sub)])

    return seg_sum, rows_per_sub


def _finish_body(p_ref, w_ref, b_ref, o_ref):
    pooled = jnp.sum(p_ref[...], axis=0)
    y = lax.dot_general(pooled, w_ref[...],
                        dimension_numbers=(((1,), (1,)), ((), ())),
                        preferred_element_type=jnp.float32)
    y = y + b_ref[...]
    o_ref[...] = jnp.where(y >= 0.0, y, 0.01 * y)


def kernel(x, batch, W, b):
    ids = batch.astype(jnp.int32)
    ids_main = ids[: NWIN * WIN].reshape(NWIN, WIN)
    ids_tail = ids[NWIN * WIN:]
    seg_sum, rows_per_sub = _make_sc_segment_sum()
    zrows = jnp.zeros((rows_per_sub, D), jnp.float32)
    partials = seg_sum(x, ids_main, ids_tail, zrows)
    out = pl.pallas_call(
        _finish_body,
        out_shape=jax.ShapeDtypeStruct((NUM_SEGMENTS, D), jnp.float32),
    )(partials, W, b.reshape(1, D))
    return out

# --- scband reference (transcript-rebuilt; emitter-appended) ---
"""Pipeline reference for scband-baseline-5574867550246 (READ-ONLY COPY).

The authoritative reference and input builder live on the scoring server;
editing this copy changes nothing except your own understanding.
"""

import jax, jax.numpy as jnp
import numpy as np

N_NODES = 100000
D_IN = 128
D_OUT = 128
NUM_GRAPHS = 512


def setup_inputs(seed: int = 0) -> dict:
    key = jax.random.key(seed)
    k_x, k_b, k_w, k_bias = (jax.random.fold_in(key, i) for i in range(4))
    x = jax.random.normal(k_x, (N_NODES, D_IN), dtype=jnp.float32)
    batch = jnp.sort(jax.random.randint(k_b, (N_NODES,), 0, NUM_GRAPHS, dtype=jnp.int64))
    # Linear params (torch.nn.Linear: out = x @ W.T + b)
    bound = 1.0 / np.sqrt(D_IN)
    W = jax.random.uniform(k_w, (D_OUT, D_IN), dtype=jnp.float32, minval=-bound, maxval=bound)
    b = jax.random.uniform(k_bias, (D_OUT,), dtype=jnp.float32, minval=-bound, maxval=bound)
    return {"x": x, "batch": batch, "W": W, "b": b}


def reference(x, batch, W, b):
    # global_add_pool: segment-sum node features by graph id
    pooled = jax.ops.segment_sum(x, batch, num_segments=NUM_GRAPHS)
    # Linear
    out = pooled @ W.T + b
    # LeakyReLU (default negative_slope=0.01)
    out = jax.nn.leaky_relu(out, negative_slope=0.01)
    return out

if __name__ == "__main__":
    import jax
    _d = setup_inputs()
    print(jax.jit(kernel)(*tuple(_d.values())))

</pallas_src>

<mosaic_0001>
#map = affine_map<(d0, d1) -> (0, 0)>
#map1 = affine_map<(d0, d1) -> (0)>
#map2 = affine_map<(d0, d1) -> (0, 0, 0)>
module attributes {stable_mosaic.version = 14 : i64} {
  func.func @seg_sum(%arg0: i32, %arg1: i32, %arg2: memref<100000x128xf32, #tpu.memory_space<hbm>>, %arg3: memref<781x128xi32, #tpu.memory_space<hbm>>, %arg4: memref<32xi32, #tpu.memory_space<hbm>>, %arg5: memref<32x128xf32, #tpu.memory_space<hbm>>, %arg6: memref<2x512x128xf32, #tpu.memory_space<hbm>>, %arg7: memref<128xi32, #tpu.memory_space<vmem>>, %arg8: memref<32xi32, #tpu.memory_space<vmem>>, %arg9: memref<128x128xf32, #tpu.memory_space<vmem>>, %arg10: memref<512x128xf32, #tpu.memory_space<vmem_shared>>) attributes {dimension_semantics = [#tpu.dimension_semantics<core_parallel>, #tpu.dimension_semantics<subcore_parallel>], iteration_bounds = array<i64: 2, 16>, scalar_prefetch = 0 : i64, scratch_operands = 4 : i64, tpu.core_type = #tpu.core_type<sc_vector_subcore>, window_params = [{transform_indices = #map}, {transform_indices = #map}, {transform_indices = #map1}, {transform_indices = #map}, {transform_indices = #map2}]} {
    %mul3A = arith.constant 2 : i32
    %mul3A_0 = arith.muli %arg1, %mul3A : i32
    %add3A = arith.addi %mul3A_0, %arg0 : i32
    "tpu.region"() ({
      %run_scoped3A = tpu.sem_alloc : memref<!tpu.dma_semaphore, #tpu.memory_space<semaphore_mem>>
      %dma_start3A = arith.constant 0 : i32
      %dma_start3A_15 = arith.constant 0 : i32
      %dma_start3A_16 = tpu.memref_slice %arg9[%dma_start3A, %dma_start3A_15] : memref<128x128xf32, #tpu.memory_space<vmem>> -> memref<32x128xf32, #tpu.memory_space<vmem>>
      %dma_start3A_17 = arith.constant 0 : i32
      %dma_start3A_18 = arith.constant 0 : i32
      %dma_start3A_19 = tpu.memref_slice %arg9[%dma_start3A_17, %dma_start3A_18] : memref<128x128xf32, #tpu.memory_space<vmem>> -> memref<32x128xf32, #tpu.memory_space<vmem>>
      tpu.enqueue_dma source(%arg5 : memref<32x128xf32, #tpu.memory_space<hbm>>) target(%dma_start3A_19 : memref<32x128xf32, #tpu.memory_space<vmem>>) target_semaphore(%run_scoped3A : memref<!tpu.dma_semaphore, #tpu.memory_space<semaphore_mem>>)
      %dma_wait3A = arith.constant 0 : i32
      %dma_wait3A_20 = arith.constant 0 : i32
      %dma_wait3A_21 = tpu.memref_slice %arg9[%dma_wait3A, %dma_wait3A_20] : memref<128x128xf32, #tpu.memory_space<vmem>> -> memref<32x128xf32, #tpu.memory_space<vmem>>
      %dma_wait3A_22 = arith.constant 0 : i32
      %dma_wait3A_23 = arith.constant 0 : i32
      %dma_wait3A_24 = tpu.memref_slice %arg9[%dma_wait3A_22, %dma_wait3A_23] : memref<128x128xf32, #tpu.memory_space<vmem>> -> memref<32x128xf32, #tpu.memory_space<vmem>>
      tpu.wait_dma2 semaphore(%run_scoped3A : memref<!tpu.dma_semaphore, #tpu.memory_space<semaphore_mem>>) src(%arg5 : memref<32x128xf32, #tpu.memory_space<hbm>>) dst(%dma_wait3A_24 : memref<32x128xf32, #tpu.memory_space<vmem>>)
      tpu.yield
    }) : () -> ()
    %mul3A_1 = arith.constant 32 : i32
    %mul3A_2 = arith.muli %arg1, %mul3A_1 : i32
    "tpu.region"() ({
      %run_scoped3A = tpu.sem_alloc : memref<!tpu.dma_semaphore, #tpu.memory_space<semaphore_mem>>
      %dma_start3A = arith.constant 0 : i32
      %dma_start3A_15 = arith.constant 0 : i32
      %dma_start3A_16 = tpu.memref_slice %arg9[%dma_start3A, %dma_start3A_15] : memref<128x128xf32, #tpu.memory_space<vmem>> -> memref<32x128xf32, #tpu.memory_space<vmem>>
      %dma_start3A_17 = arith.constant 0 : i32
      %dma_start3A_18 = tpu.memref_slice %arg10[%mul3A_2, %dma_start3A_17] : memref<512x128xf32, #tpu.memory_space<vmem_shared>> -> memref<32x128xf32, #tpu.memory_space<vmem_shared>>
      %dma_start3A_19 = arith.constant 0 : i32
      %dma_start3A_20 = tpu.memref_slice %arg10[%mul3A_2, %dma_start3A_19] : memref<512x128xf32, #tpu.memory_space<vmem_shared>> -> memref<32x128xf32, #tpu.memory_space<vmem_shared>>
      %dma_start3A_21 = arith.constant 0 : i32
      %dma_start3A_22 = arith.constant 0 : i32
      %dma_start3A_23 = tpu.memref_slice %arg9[%dma_start3A_21, %dma_start3A_22] : memref<128x128xf32, #tpu.memory_space<vmem>> -> memref<32x128xf32, #tpu.memory_space<vmem>>
      tpu.enqueue_dma source(%dma_start3A_23 : memref<32x128xf32, #tpu.memory_space<vmem>>) target(%dma_start3A_20 : memref<32x128xf32, #tpu.memory_space<vmem_shared>>) target_semaphore(%run_scoped3A : memref<!tpu.dma_semaphore, #tpu.memory_space<semaphore_mem>>)
      %dma_wait3A = arith.constant 0 : i32
      %dma_wait3A_24 = arith.constant 0 : i32
      %dma_wait3A_25 = tpu.memref_slice %arg9[%dma_wait3A, %dma_wait3A_24] : memref<128x128xf32, #tpu.memory_space<vmem>> -> memref<32x128xf32, #tpu.memory_space<vmem>>
      %dma_wait3A_26 = arith.constant 0 : i32
      %dma_wait3A_27 = tpu.memref_slice %arg10[%mul3A_2, %dma_wait3A_26] : memref<512x128xf32, #tpu.memory_space<vmem_shared>> -> memref<32x128xf32, #tpu.memory_space<vmem_shared>>
      %dma_wait3A_28 = arith.constant 0 : i32
      %dma_wait3A_29 = tpu.memref_slice %arg10[%mul3A_2, %dma_wait3A_28] : memref<512x128xf32, #tpu.memory_space<vmem_shared>> -> memref<32x128xf32, #tpu.memory_space<vmem_shared>>
      %dma_wait3A_30 = arith.constant 0 : i32
      %dma_wait3A_31 = arith.constant 0 : i32
      %dma_wait3A_32 = tpu.memref_slice %arg9[%dma_wait3A_30, %dma_wait3A_31] : memref<128x128xf32, #tpu.memory_space<vmem>> -> memref<32x128xf32, #tpu.memory_space<vmem>>
      tpu.wait_dma2 semaphore(%run_scoped3A : memref<!tpu.dma_semaphore, #tpu.memory_space<semaphore_mem>>) src(%dma_wait3A_32 : memref<32x128xf32, #tpu.memory_space<vmem>>) dst(%dma_wait3A_29 : memref<32x128xf32, #tpu.memory_space<vmem_shared>>)
      tpu.yield
    }) : () -> ()
    %barrier3A = arith.constant 0 : index
    tpu.barrier barrier_id(%barrier3A)
    %scan3A = arith.constant 0 : i32
    %scan3A_3 = arith.constant 0 : i32
    %scan3A_4 = arith.constant 25 : i32
    %scan3A_5 = arith.addi %scan3A_3, %scan3A_4 : i32
    %scan3A_6 = arith.constant 1 : i32
    scf.for %scan3A_15 = %scan3A_3 to %scan3A_5 step %scan3A_6  : i32 {
      %mul3A_16 = arith.constant 32 : i32
      %mul3A_17 = arith.muli %mul3A_16, %scan3A_15 : i32
      %add3A_18 = arith.addi %add3A, %mul3A_17 : i32
      %lt3A = arith.constant 781 : i32
      %lt3A_19 = arith.cmpi slt, %add3A_18, %lt3A : i32
      %convert_element_type3A_20 = arith.extui %lt3A_19 : i1 to i32
      %cond3A_21 = arith.constant 0 : i32
      %cond3A_22 = arith.cmpi ne, %convert_element_type3A_20, %cond3A_21 : i32
      scf.if %cond3A_22 {
        "tpu.region"() ({
          %run_scoped3A = tpu.sem_alloc : memref<!tpu.dma_semaphore, #tpu.memory_space<semaphore_mem>>
          %dma_start3A = arith.constant 0 : i32
          %dma_start3A_25 = tpu.memref_slice %arg3[%add3A_18, %dma_start3A] : memref<781x128xi32, #tpu.memory_space<hbm>> -> memref<1x128xi32, #tpu.memory_space<hbm>>
          %dma_start3A_26 = tpu.memref_squeeze %dma_start3A_25 : memref<1x128xi32, #tpu.memory_space<hbm>> -> memref<128xi32, #tpu.memory_space<hbm>>
          %dma_start3A_27 = arith.constant 0 : i32
          %dma_start3A_28 = tpu.memref_slice %arg3[%add3A_18, %dma_start3A_27] : memref<781x128xi32, #tpu.memory_space<hbm>> -> memref<1x128xi32, #tpu.memory_space<hbm>>
          %dma_start3A_29 = tpu.memref_squeeze %dma_start3A_28 : memref<1x128xi32, #tpu.memory_space<hbm>> -> memref<128xi32, #tpu.memory_space<hbm>>
          tpu.enqueue_dma source(%dma_start3A_29 : memref<128xi32, #tpu.memory_space<hbm>>) target(%arg7 : memref<128xi32, #tpu.memory_space<vmem>>) target_semaphore(%run_scoped3A : memref<!tpu.dma_semaphore, #tpu.memory_space<semaphore_mem>>)
          %dma_wait3A = arith.constant 0 : i32
          %dma_wait3A_30 = tpu.memref_slice %arg3[%add3A_18, %dma_wait3A] : memref<781x128xi32, #tpu.memory_space<hbm>> -> memref<1x128xi32, #tpu.memory_space<hbm>>
          %dma_wait3A_31 = tpu.memref_squeeze %dma_wait3A_30 : memref<1x128xi32, #tpu.memory_space<hbm>> -> memref<128xi32, #tpu.memory_space<hbm>>
          %dma_wait3A_32 = arith.constant 0 : i32
          %dma_wait3A_33 = tpu.memref_slice %arg3[%add3A_18, %dma_wait3A_32] : memref<781x128xi32, #tpu.memory_space<hbm>> -> memref<1x128xi32, #tpu.memory_space<hbm>>
          %dma_wait3A_34 = tpu.memref_squeeze %dma_wait3A_33 : memref<1x128xi32, #tpu.memory_space<hbm>> -> memref<128xi32, #tpu.memory_space<hbm>>
          tpu.wait_dma2 semaphore(%run_scoped3A : memref<!tpu.dma_semaphore, #tpu.memory_space<semaphore_mem>>) src(%dma_wait3A_34 : memref<128xi32, #tpu.memory_space<hbm>>) dst(%arg7 : memref<128xi32, #tpu.memory_space<vmem>>)
          tpu.yield
        }) : () -> ()
        %mul3A_23 = arith.constant 128 : i32
        %mul3A_24 = arith.muli %add3A_18, %mul3A_23 : i32
        "tpu.region"() ({
          %run_scoped3A = tpu.sem_alloc : memref<!tpu.dma_semaphore, #tpu.memory_space<semaphore_mem>>
          %dma_start3A = arith.constant 0 : i32
          %dma_start3A_25 = tpu.memref_slice %arg2[%mul3A_24, %dma_start3A] : memref<100000x128xf32, #tpu.memory_space<hbm>> -> memref<128x128xf32, #tpu.memory_space<hbm>>
          %dma_start3A_26 = arith.constant 0 : i32
          %dma_start3A_27 = tpu.memref_slice %arg2[%mul3A_24, %dma_start3A_26] : memref<100000x128xf32, #tpu.memory_space<hbm>> -> memref<128x128xf32, #tpu.memory_space<hbm>>
          tpu.enqueue_dma source(%dma_start3A_27 : memref<128x128xf32, #tpu.memory_space<hbm>>) target(%arg9 : memref<128x128xf32, #tpu.memory_space<vmem>>) target_semaphore(%run_scoped3A : memref<!tpu.dma_semaphore, #tpu.memory_space<semaphore_mem>>)
          %dma_wait3A = arith.constant 0 : i32
          %dma_wait3A_28 = tpu.memref_slice %arg2[%mul3A_24, %dma_wait3A] : memref<100000x128xf32, #tpu.memory_space<hbm>> -> memref<128x128xf32, #tpu.memory_space<hbm>>
          %dma_wait3A_29 = arith.constant 0 : i32
          %dma_wait3A_30 = tpu.memref_slice %arg2[%mul3A_24, %dma_wait3A_29] : memref<100000x128xf32, #tpu.memory_space<hbm>> -> memref<128x128xf32, #tpu.memory_space<hbm>>
          tpu.wait_dma2 semaphore(%run_scoped3A : memref<!tpu.dma_semaphore, #tpu.memory_space<semaphore_mem>>) src(%dma_wait3A_30 : memref<128x128xf32, #tpu.memory_space<hbm>>) dst(%arg9 : memref<128x128xf32, #tpu.memory_space<vmem>>)
          tpu.yield
        }) : () -> ()
        "tpu.region"() ({
          %run_scoped3A = tpu.sem_alloc : memref<!tpu.dma_semaphore, #tpu.memory_space<semaphore_mem>>
          %dma_start3A = arith.constant 0 : i32
          %dma_start3A_25 = arith.constant 0 : i32
          %dma_start3A_26 = tpu.memref_slice %arg10[%dma_start3A, %dma_start3A_25] : memref<512x128xf32, #tpu.memory_space<vmem_shared>> -> memref<512x128xf32, #tpu.memory_space<vmem_shared>>
          tpu.enqueue_indirect_dma source(%arg9 : memref<128x128xf32, #tpu.memory_space<vmem>>) target(%dma_start3A_26 : memref<512x128xf32, #tpu.memory_space<vmem_shared>>) offsets(%arg7 : memref<128xi32, #tpu.memory_space<vmem>>) semaphore(%run_scoped3A : memref<!tpu.dma_semaphore, #tpu.memory_space<semaphore_mem>>) {add = true}
          %dma_wait3A = arith.constant 0 : i32
          %dma_wait3A_27 = arith.constant 0 : i32
          %dma_wait3A_28 = tpu.memref_slice %arg10[%dma_wait3A, %dma_wait3A_27] : memref<512x128xf32, #tpu.memory_space<vmem_shared>> -> memref<512x128xf32, #tpu.memory_space<vmem_shared>>
          tpu.wait_indirect_dma semaphore(%run_scoped3A : memref<!tpu.dma_semaphore, #tpu.memory_space<semaphore_mem>>) src(%arg9 : memref<128x128xf32, #tpu.memory_space<vmem>>) dst(%dma_wait3A_28 : memref<512x128xf32, #tpu.memory_space<vmem_shared>>)
          tpu.yield
        }) : () -> ()
      } else {
      }
    }
    %scan3A_7 = arith.constant 25 : i32
    %eq3A = arith.constant 31 : i32
    %eq3A_8 = arith.cmpi eq, %add3A, %eq3A : i32
    %convert_element_type3A = arith.extui %eq3A_8 : i1 to i32
    %cond3A = arith.constant 0 : i32
    %cond3A_9 = arith.cmpi ne, %convert_element_type3A, %cond3A : i32
    scf.if %cond3A_9 {
      "tpu.region"() ({
        %run_scoped3A = tpu.sem_alloc : memref<!tpu.dma_semaphore, #tpu.memory_space<semaphore_mem>>
        tpu.enqueue_dma source(%arg4 : memref<32xi32, #tpu.memory_space<hbm>>) target(%arg8 : memref<32xi32, #tpu.memory_space<vmem>>) target_semaphore(%run_scoped3A : memref<!tpu.dma_semaphore, #tpu.memory_space<semaphore_mem>>)
        tpu.wait_dma2 semaphore(%run_scoped3A : memref<!tpu.dma_semaphore, #tpu.memory_space<semaphore_mem>>) src(%arg4 : memref<32xi32, #tpu.memory_space<hbm>>) dst(%arg8 : memref<32xi32, #tpu.memory_space<vmem>>)
        tpu.yield
      }) : () -> ()
      "tpu.region"() ({
        %run_scoped3A = tpu.sem_alloc : memref<!tpu.dma_semaphore, #tpu.memory_space<semaphore_mem>>
        %dma_start3A = arith.constant 0 : i32
        %dma_start3A_15 = arith.constant 0 : i32
        %dma_start3A_16 = tpu.memref_slice %arg9[%dma_start3A, %dma_start3A_15] : memref<128x128xf32, #tpu.memory_space<vmem>> -> memref<32x128xf32, #tpu.memory_space<vmem>>
        %dma_start3A_17 = arith.constant 99968 : i32
        %dma_start3A_18 = arith.constant 0 : i32
        %dma_start3A_19 = tpu.memref_slice %arg2[%dma_start3A_17, %dma_start3A_18] : memref<100000x128xf32, #tpu.memory_space<hbm>> -> memref<32x128xf32, #tpu.memory_space<hbm>>
        %dma_start3A_20 = arith.constant 0 : i32
        %dma_start3A_21 = arith.constant 0 : i32
        %dma_start3A_22 = tpu.memref_slice %arg9[%dma_start3A_20, %dma_start3A_21] : memref<128x128xf32, #tpu.memory_space<vmem>> -> memref<32x128xf32, #tpu.memory_space<vmem>>
        %dma_start3A_23 = arith.constant 99968 : i32
        %dma_start3A_24 = arith.constant 0 : i32
        %dma_start3A_25 = tpu.memref_slice %arg2[%dma_start3A_23, %dma_start3A_24] : memref<100000x128xf32, #tpu.memory_space<hbm>> -> memref<32x128xf32, #tpu.memory_space<hbm>>
        tpu.enqueue_dma source(%dma_start3A_25 : memref<32x128xf32, #tpu.memory_space<hbm>>) target(%dma_start3A_22 : memref<32x128xf32, #tpu.memory_space<vmem>>) target_semaphore(%run_scoped3A : memref<!tpu.dma_semaphore, #tpu.memory_space<semaphore_mem>>)
        %dma_wait3A = arith.constant 0 : i32
        %dma_wait3A_26 = arith.constant 0 : i32
        %dma_wait3A_27 = tpu.memref_slice %arg9[%dma_wait3A, %dma_wait3A_26] : memref<128x128xf32, #tpu.memory_space<vmem>> -> memref<32x128xf32, #tpu.memory_space<vmem>>
        %dma_wait3A_28 = arith.constant 99968 : i32
        %dma_wait3A_29 = arith.constant 0 : i32
        %dma_wait3A_30 = tpu.memref_slice %arg2[%dma_wait3A_28, %dma_wait3A_29] : memref<100000x128xf32, #tpu.memory_space<hbm>> -> memref<32x128xf32, #tpu.memory_space<hbm>>
        %dma_wait3A_31 = arith.constant 0 : i32
        %dma_wait3A_32 = arith.constant 0 : i32
        %dma_wait3A_33 = tpu.memref_slice %arg9[%dma_wait3A_31, %dma_wait3A_32] : memref<128x128xf32, #tpu.memory_space<vmem>> -> memref<32x128xf32, #tpu.memory_space<vmem>>
        %dma_wait3A_34 = arith.constant 99968 : i32
        %dma_wait3A_35 = arith.constant 0 : i32
        %dma_wait3A_36 = tpu.memref_slice %arg2[%dma_wait3A_34, %dma_wait3A_35] : memref<100000x128xf32, #tpu.memory_space<hbm>> -> memref<32x128xf32, #tpu.memory_space<hbm>>
        tpu.wait_dma2 semaphore(%run_scoped3A : memref<!tpu.dma_semaphore, #tpu.memory_space<semaphore_mem>>) src(%dma_wait3A_36 : memref<32x128xf32, #tpu.memory_space<hbm>>) dst(%dma_wait3A_33 : memref<32x128xf32, #tpu.memory_space<vmem>>)
        tpu.yield
      }) : () -> ()
      "tpu.region"() ({
        %run_scoped3A = tpu.sem_alloc : memref<!tpu.dma_semaphore, #tpu.memory_space<semaphore_mem>>
        %dma_start3A = arith.constant 0 : i32
        %dma_start3A_15 = arith.constant 0 : i32
        %dma_start3A_16 = tpu.memref_slice %arg9[%dma_start3A, %dma_start3A_15] : memref<128x128xf32, #tpu.memory_space<vmem>> -> memref<32x128xf32, #tpu.memory_space<vmem>>
        %dma_start3A_17 = arith.constant 0 : i32
        %dma_start3A_18 = arith.constant 0 : i32
        %dma_start3A_19 = tpu.memref_slice %arg10[%dma_start3A_17, %dma_start3A_18] : memref<512x128xf32, #tpu.memory_space<vmem_shared>> -> memref<512x128xf32, #tpu.memory_space<vmem_shared>>
        tpu.enqueue_indirect_dma source(%dma_start3A_16 : memref<32x128xf32, #tpu.memory_space<vmem>>) target(%dma_start3A_19 : memref<512x128xf32, #tpu.memory_space<vmem_shared>>) offsets(%arg8 : memref<32xi32, #tpu.memory_space<vmem>>) semaphore(%run_scoped3A : memref<!tpu.dma_semaphore, #tpu.memory_space<semaphore_mem>>) {add = true}
        %dma_wait3A = arith.constant 0 : i32
        %dma_wait3A_20 = arith.constant 0 : i32
        %dma_wait3A_21 = tpu.memref_slice %arg9[%dma_wait3A, %dma_wait3A_20] : memref<128x128xf32, #tpu.memory_space<vmem>> -> memref<32x128xf32, #tpu.memory_space<vmem>>
        %dma_wait3A_22 = arith.constant 0 : i32
        %dma_wait3A_23 = arith.constant 0 : i32
        %dma_wait3A_24 = tpu.memref_slice %arg10[%dma_wait3A_22, %dma_wait3A_23] : memref<512x128xf32, #tpu.memory_space<vmem_shared>> -> memref<512x128xf32, #tpu.memory_space<vmem_shared>>
        tpu.wait_indirect_dma semaphore(%run_scoped3A : memref<!tpu.dma_semaphore, #tpu.memory_space<semaphore_mem>>) src(%dma_wait3A_21 : memref<32x128xf32, #tpu.memory_space<vmem>>) dst(%dma_wait3A_24 : memref<512x128xf32, #tpu.memory_space<vmem_shared>>)
        tpu.yield
      }) : () -> ()
    } else {
    }
    %barrier3A_10 = arith.constant 0 : index
    tpu.barrier barrier_id(%barrier3A_10)
    %mul3A_11 = arith.constant 32 : i32
    %mul3A_12 = arith.muli %arg1, %mul3A_11 : i32
    "tpu.region"() ({
      %run_scoped3A = tpu.sem_alloc : memref<!tpu.dma_semaphore, #tpu.memory_space<semaphore_mem>>
      %dma_start3A = arith.constant 0 : i32
      %dma_start3A_15 = arith.constant 0 : i32
      %dma_start3A_16 = tpu.memref_slice %arg9[%dma_start3A, %dma_start3A_15] : memref<128x128xf32, #tpu.memory_space<vmem>> -> memref<32x128xf32, #tpu.memory_space<vmem>>
      %dma_start3A_17 = arith.constant 0 : i32
      %dma_start3A_18 = tpu.memref_slice %arg10[%mul3A_12, %dma_start3A_17] : memref<512x128xf32, #tpu.memory_space<vmem_shared>> -> memref<32x128xf32, #tpu.memory_space<vmem_shared>>
      %dma_start3A_19 = arith.constant 0 : i32
      %dma_start3A_20 = arith.constant 0 : i32
      %dma_start3A_21 = tpu.memref_slice %arg9[%dma_start3A_19, %dma_start3A_20] : memref<128x128xf32, #tpu.memory_space<vmem>> -> memref<32x128xf32, #tpu.memory_space<vmem>>
      %dma_start3A_22 = arith.constant 0 : i32
      %dma_start3A_23 = tpu.memref_slice %arg10[%mul3A_12, %dma_start3A_22] : memref<512x128xf32, #tpu.memory_space<vmem_shared>> -> memref<32x128xf32, #tpu.memory_space<vmem_shared>>
      tpu.enqueue_dma source(%dma_start3A_23 : memref<32x128xf32, #tpu.memory_space<vmem_shared>>) target(%dma_start3A_21 : memref<32x128xf32, #tpu.memory_space<vmem>>) target_semaphore(%run_scoped3A : memref<!tpu.dma_semaphore, #tpu.memory_space<semaphore_mem>>)
      %dma_wait3A = arith.constant 0 : i32
      %dma_wait3A_24 = arith.constant 0 : i32
      %dma_wait3A_25 = tpu.memref_slice %arg9[%dma_wait3A, %dma_wait3A_24] : memref<128x128xf32, #tpu.memory_space<vmem>> -> memref<32x128xf32, #tpu.memory_space<vmem>>
      %dma_wait3A_26 = arith.constant 0 : i32
      %dma_wait3A_27 = tpu.memref_slice %arg10[%mul3A_12, %dma_wait3A_26] : memref<512x128xf32, #tpu.memory_space<vmem_shared>> -> memref<32x128xf32, #tpu.memory_space<vmem_shared>>
      %dma_wait3A_28 = arith.constant 0 : i32
      %dma_wait3A_29 = arith.constant 0 : i32
      %dma_wait3A_30 = tpu.memref_slice %arg9[%dma_wait3A_28, %dma_wait3A_29] : memref<128x128xf32, #tpu.memory_space<vmem>> -> memref<32x128xf32, #tpu.memory_space<vmem>>
      %dma_wait3A_31 = arith.constant 0 : i32
      %dma_wait3A_32 = tpu.memref_slice %arg10[%mul3A_12, %dma_wait3A_31] : memref<512x128xf32, #tpu.memory_space<vmem_shared>> -> memref<32x128xf32, #tpu.memory_space<vmem_shared>>
      tpu.wait_dma2 semaphore(%run_scoped3A : memref<!tpu.dma_semaphore, #tpu.memory_space<semaphore_mem>>) src(%dma_wait3A_32 : memref<32x128xf32, #tpu.memory_space<vmem_shared>>) dst(%dma_wait3A_30 : memref<32x128xf32, #tpu.memory_space<vmem>>)
      tpu.yield
    }) : () -> ()
    %mul3A_13 = arith.constant 32 : i32
    %mul3A_14 = arith.muli %arg1, %mul3A_13 : i32
    "tpu.region"() ({
      %run_scoped3A = tpu.sem_alloc : memref<!tpu.dma_semaphore, #tpu.memory_space<semaphore_mem>>
      %dma_start3A = arith.constant 0 : i32
      %dma_start3A_15 = arith.constant 0 : i32
      %dma_start3A_16 = tpu.memref_slice %arg9[%dma_start3A, %dma_start3A_15] : memref<128x128xf32, #tpu.memory_space<vmem>> -> memref<32x128xf32, #tpu.memory_space<vmem>>
      %dma_start3A_17 = arith.constant 0 : i32
      %dma_start3A_18 = tpu.memref_slice %arg6[%arg0, %mul3A_14, %dma_start3A_17] : memref<2x512x128xf32, #tpu.memory_space<hbm>> -> memref<1x32x128xf32, #tpu.memory_space<hbm>>
      %dma_start3A_19 = tpu.memref_squeeze %dma_start3A_18 : memref<1x32x128xf32, #tpu.memory_space<hbm>> -> memref<32x128xf32, #tpu.memory_space<hbm>>
      %dma_start3A_20 = arith.constant 0 : i32
      %dma_start3A_21 = tpu.memref_slice %arg6[%arg0, %mul3A_14, %dma_start3A_20] : memref<2x512x128xf32, #tpu.memory_space<hbm>> -> memref<1x32x128xf32, #tpu.memory_space<hbm>>
      %dma_start3A_22 = tpu.memref_squeeze %dma_start3A_21 : memref<1x32x128xf32, #tpu.memory_space<hbm>> -> memref<32x128xf32, #tpu.memory_space<hbm>>
      %dma_start3A_23 = arith.constant 0 : i32
      %dma_start3A_24 = arith.constant 0 : i32
      %dma_start3A_25 = tpu.memref_slice %arg9[%dma_start3A_23, %dma_start3A_24] : memref<128x128xf32, #tpu.memory_space<vmem>> -> memref<32x128xf32, #tpu.memory_space<vmem>>
      tpu.enqueue_dma source(%dma_start3A_25 : memref<32x128xf32, #tpu.memory_space<vmem>>) target(%dma_start3A_22 : memref<32x128xf32, #tpu.memory_space<hbm>>) target_semaphore(%run_scoped3A : memref<!tpu.dma_semaphore, #tpu.memory_space<semaphore_mem>>)
      %dma_wait3A = arith.constant 0 : i32
      %dma_wait3A_26 = arith.constant 0 : i32
      %dma_wait3A_27 = tpu.memref_slice %arg9[%dma_wait3A, %dma_wait3A_26] : memref<128x128xf32, #tpu.memory_space<vmem>> -> memref<32x128xf32, #tpu.memory_space<vmem>>
      %dma_wait3A_28 = arith.constant 0 : i32
      %dma_wait3A_29 = tpu.memref_slice %arg6[%arg0, %mul3A_14, %dma_wait3A_28] : memref<2x512x128xf32, #tpu.memory_space<hbm>> -> memref<1x32x128xf32, #tpu.memory_space<hbm>>
      %dma_wait3A_30 = tpu.memref_squeeze %dma_wait3A_29 : memref<1x32x128xf32, #tpu.memory_space<hbm>> -> memref<32x128xf32, #tpu.memory_space<hbm>>
      %dma_wait3A_31 = arith.constant 0 : i32
      %dma_wait3A_32 = tpu.memref_slice %arg6[%arg0, %mul3A_14, %dma_wait3A_31] : memref<2x512x128xf32, #tpu.memory_space<hbm>> -> memref<1x32x128xf32, #tpu.memory_space<hbm>>
      %dma_wait3A_33 = tpu.memref_squeeze %dma_wait3A_32 : memref<1x32x128xf32, #tpu.memory_space<hbm>> -> memref<32x128xf32, #tpu.memory_space<hbm>>
      %dma_wait3A_34 = arith.constant 0 : i32
      %dma_wait3A_35 = arith.constant 0 : i32
      %dma_wait3A_36 = tpu.memref_slice %arg9[%dma_wait3A_34, %dma_wait3A_35] : memref<128x128xf32, #tpu.memory_space<vmem>> -> memref<32x128xf32, #tpu.memory_space<vmem>>
      tpu.wait_dma2 semaphore(%run_scoped3A : memref<!tpu.dma_semaphore, #tpu.memory_space<semaphore_mem>>) src(%dma_wait3A_36 : memref<32x128xf32, #tpu.memory_space<vmem>>) dst(%dma_wait3A_33 : memref<32x128xf32, #tpu.memory_space<hbm>>)
      tpu.yield
    }) : () -> ()
    return
  }
}

module attributes {stable_mosaic.version = 14 : i64} {
  func.func @_finish_body(%arg0: memref<2x512x128xf32, #tpu.memory_space<vmem>>, %arg1: memref<128x128xf32, #tpu.memory_space<vmem>>, %arg2: memref<1x128xf32, #tpu.memory_space<vmem>>, %arg3: memref<512x128xf32, #tpu.memory_space<vmem>>) attributes {dimension_semantics = [], scalar_prefetch = 0 : i64, scratch_operands = 0 : i64, tpu.core_type = #tpu.core_type<tc>} {
    %get3A = arith.constant 0 : index
    %get3A_0 = arith.constant 0 : index
    %get3A_1 = arith.constant 0 : index
    %get3A_2 = vector.load %arg0[%get3A, %get3A_0, %get3A_1] : memref<2x512x128xf32, #tpu.memory_space<vmem>>, vector<2x512x128xf32>
    %reduce_sum3A = arith.constant dense<0.000000e+00> : vector<512x128xf32>
    %reduce_sum3A_3 = vector.multi_reduction <add>, %get3A_2, %reduce_sum3A [0] : vector<2x512x128xf32> to vector<512x128xf32>
    %get3A_4 = arith.constant 0 : index
    %get3A_5 = arith.constant 0 : index
    %get3A_6 = vector.load %arg1[%get3A_4, %get3A_5] : memref<128x128xf32, #tpu.memory_space<vmem>>, vector<128x128xf32>
    %dot_general3A = arith.constant dense<0.000000e+00> : vector<512x128xf32>
    %dot_general3A_7 = tpu.matmul %reduce_sum3A_3, %get3A_6, %dot_general3A {dimension_numbers = #tpu.dot_dimension_numbers<[1], [1], [0], [0], [0, 0, 1, 0], [], []>, transpose_lhs_hint = false} : vector<512x128xf32>, vector<128x128xf32>, vector<512x128xf32> -> vector<512x128xf32>
    %get3A_8 = arith.constant 0 : index
    %get3A_9 = arith.constant 0 : index
    %get3A_10 = vector.load %arg2[%get3A_8, %get3A_9] : memref<1x128xf32, #tpu.memory_space<vmem>>, vector<1x128xf32>
    %add3A = vector.broadcast %get3A_10 : vector<1x128xf32> to vector<512x128xf32>
    %add3A_11 = arith.addf %dot_general3A_7, %add3A : vector<512x128xf32>
    %ge3A = arith.constant 0.000000e+00 : f32
    %ge3A_12 = vector.broadcast %ge3A : f32 to vector<512x128xf32>
    %ge3A_13 = arith.cmpf oge, %add3A_11, %ge3A_12 : vector<512x128xf32>
    %mul3A = arith.constant 0.00999999977 : f32
    %mul3A_14 = vector.broadcast %mul3A : f32 to vector<512x128xf32>
    %mul3A_15 = arith.mulf %mul3A_14, %add3A_11 : vector<512x128xf32>
    %select_n3A = arith.select %ge3A_13, %add3A_11, %mul3A_15 : vector<512x128xi1>, vector<512x128xf32>
    %swap3A = arith.constant 0 : index
    %swap3A_16 = arith.constant 0 : index
    %swap3A_17 = vector.load %arg3[%swap3A, %swap3A_16] : memref<512x128xf32, #tpu.memory_space<vmem>>, vector<512x128xf32>
    tpu.vector_store %arg3[%swap3A, %swap3A_16], %select_n3A {strides = array<i32>} : memref<512x128xf32, #tpu.memory_space<vmem>>, vector<512x128xf32>,
    return
  }
}

</mosaic_0001>

<sc_bundles>
// kernel: kernel.4.cloned.1.call-start
scs
__scs_entry_jumppad:
0x0: {  	(pc) =	sbr.rel $0x88, $3  }
0x1: {  	(tag) =	ssettag $0x0;
	lr =	simm.s32 $0x1  }
0x2: {  	[smem:$0x3F9D] =	sst lr;
	_ =	strace $0xD0000000  }
0x3: {  	_ = 	snop  }
0x4: {  	_ = 	snop  }
0x5: {  	_ = 	snop  }
0x6: {  	_ = 	snop  }
0x7: {  	_ = 	snop  }
__scs_overlays_trampoline_lowered:
0x8: {  	[smem:$0x3FAC] =	sst s0  }
0x9: {  	[smem:$0x3FAD] =	sst s1  }
0xa: {  	[smem:$0x3FAE] =	sst s2  }
0xb: {  	[smem:$0x3FAF] =	sst s3  }
0xc: {  	[smem:$0x3FB0] =	sst s4  }
0xd: {  	[smem:$0x3FB1] =	sst s5  }
0xe: {  	[smem:$0x3FB2] =	sst s6  }
0xf: {  	[smem:$0x3FB3] =	sst s7  }
0x10: {  	[smem:$0x3FB4] =	sst s8  }
0x11: {  	[smem:$0x3FB5] =	sst s9;
	s0 =	simm.s32 @!p0 $0x0  }
0x12: {  	s1 =	sld [smem:$0x3F9B];
	s0 =	simm.s32 @p0 $0x1  }
0x13: {  	[smem:$0x3FB6] =	sst s0;
	s0 =	simm.s32 @!p1 $0x0  }
0x14: {  	s2 =	sld [smem:$0x3F9A];
	s0 =	simm.s32 @p1 $0x1  }
0x15: {  	[smem:$0x3FB7] =	sst s0;
	s0 =	simm.s32 @!p2 $0x0  }
0x16: {  	s3 =	sld [smem:$0x3FDB];
	s0 =	simm.s32 @p2 $0x1  }
0x17: {  	s4 =	simm.s32 $0x1BF5;
	[smem:$0x3FB9] =	sst s0  }
0x18: {  	s0 =	sld [smem:$0x3F9C];
	_ =	swait.ge [sflag:s4], $0x0  }
0x19: {  	s7 =	sld [smem:$0x3F9D]  }
0x1a: {  	s8 =	sadd.s32 $0xFFFFE003, lr  }
0x1b: {  	s9 =	sadd.s32 $0xFFFFFEF7, lr;
	s5 =	simm.s32 $0xFFFFFFFF;
	p2 =	slt.u32 s8, $0xFFFFF086  }
0x1c: {  	p1 =	slt.u32 s9, $0xF7A;
	s5 =	simm.s32 @!p2 $0x0  }
0x1d: {  	s5 =	simm.s32 @p1 $0x1;
	p0 =	seq.s32 s7, s2  }
0x1e: {  	s7 =	smul.u32 @!p0 $0xF7A, s2;
	p2 =	seq.s32 @!p0 s5, $0x0  }
0x1f: {  	s9 =	smul.u32 $0xF7A, s1;
	s8 =	simm.s32 @!p0 $0x1BF5;
	p2 =	por !p2, p0  }
0x20: {  	[sflag:s8] =	ssyncset.s32 @!p0 $0xFFFFF086;
	s6 =	sadd.s32 @!p0 s3, s7;
	s7 =	simm.s32 @!p0 $0x108  }
0x21: {  	s3 =	sadd.s32 s3, s9;
	s6 =	sadd.s32 @!p0 $0x88, s6;
	s7 =	simm.s32 @p2 $0x1082  }
0x22: {  	[simem:s7], [sflag:s8] =	dma.local @!p0 [hbm:s6], $0xF7A  }
0x23: {  	s9 =	sor.u32 $0xD0000000, s2;
	s6 =	simm.s32 $0x108;
	_ =	swait.ge @!p0 [sflag:s8], $0x0  }
0x24: {  	s3 =	sadd.s32 $0x88, s3;
	s6 =	simm.s32 @!p1 $0x1082;
	[sflag:s4] =	ssyncset.s32 $0xFFFFF086  }
0x25: {  	[simem:s6], [sflag:s4] =	dma.local [hbm:s3], $0xF7A  }
0x26: {  	[smem:$0x3F9D] =	sst s1;
	(tag) =	ssettag s2;
	_ =	strace s9  }
0x27: {  	s1 =	sld [smem:$0x3FAD]  }
0x28: {  	s2 =	sld [smem:$0x3FAE]  }
0x29: {  	s4 =	sld [smem:$0x3FB0]  }
0x2a: {  	p0 =	seq.s32 s5, $0x0;
	s5 =	sld [smem:$0x3FB1]  }
0x2b: {  	s6 =	sld [smem:$0x3FB2]  }
0x2c: {  	s7 =	sld [smem:$0x3FB3]  }
0x2d: {  	s3 =	simm.s32 $0x108;
	s8 =	sld [smem:$0x3FB4]  }
0x2e: {  	s3 =	simm.s32 @!p0 $0x1082;
	s9 =	sld [smem:$0x3FB5]  }
0x2f: {  	lr =	sadd.s32 s0, s3;
	s0 =	sld [smem:$0x3FAC]  }
0x30: {  	s3 =	sld [smem:$0x3FAF]  }
0x31: {  	[smem:$0x3FB8] =	sst s10  }
0x32: {  	s10 =	sld [smem:$0x3FB6];
	_ =	sdelay $0x3  }
0x33: {  	p0 =	seq.s32 s10, $0x1;
	s10 =	sld [smem:$0x3FB8];
	_ =	sdelay $0x3  }
0x34: {  	[smem:$0x3FB8] =	sst s10  }
0x35: {  	s10 =	sld [smem:$0x3FB7];
	_ =	sdelay $0x3  }
0x36: {  	p1 =	seq.s32 s10, $0x1;
	s10 =	sld [smem:$0x3FB8];
	_ =	sdelay $0x3  }
0x37: {  	[smem:$0x3FB8] =	sst s10  }
0x38: {  	s10 =	sld [smem:$0x3FB9]  }
0x39: {  	_ = 	snop;
	(pc) =	sbr.ind lr, $3  }
0x3a: {  	_ = 	snop  }
0x3b: {  	_ = 	snop  }
0x3c: {  	p2 =	seq.s32 s10, $0x1;
	s10 =	sld [smem:$0x3FB8]  }
0x3d: {  	_ =	shalt  }
0x3e: {  	_ =	shalt  }
0x3f: {  	_ =	shalt  }
0x40: {  	_ =	shalt  }
0x41: {  	_ =	shalt  }
0x42: {  	_ =	shalt  }
0x43: {  	_ =	shalt  }
0x44: {  	_ =	shalt  }
0x45: {  	_ =	shalt  }
0x46: {  	_ =	shalt  }
0x47: {  	_ =	shalt  }
0x48: {  	_ =	shalt  }
0x49: {  	_ =	shalt  }
0x4a: {  	_ =	shalt  }
0x4b: {  	_ =	shalt  }
0x4c: {  	_ =	shalt  }
0x4d: {  	_ =	shalt  }
0x4e: {  	_ =	shalt  }
0x4f: {  	_ =	shalt  }
0x50: {  	_ =	shalt  }
0x51: {  	_ =	shalt  }
0x52: {  	_ =	shalt  }
0x53: {  	_ =	shalt  }
0x54: {  	_ =	shalt  }
0x55: {  	_ =	shalt  }
0x56: {  	_ =	shalt  }
0x57: {  	_ =	shalt  }
0x58: {  	_ =	shalt  }
0x59: {  	_ =	shalt  }
0x5a: {  	_ =	shalt  }
0x5b: {  	_ =	shalt  }
0x5c: {  	_ =	shalt  }
0x5d: {  	_ =	shalt  }
0x5e: {  	_ =	shalt  }
0x5f: {  	_ =	shalt  }
0x60: {  	_ =	shalt  }
0x61: {  	_ =	shalt  }
0x62: {  	_ =	shalt  }
0x63: {  	_ =	shalt  }
0x64: {  	_ =	shalt  }
0x65: {  	_ =	shalt  }
0x66: {  	_ =	shalt  }
0x67: {  	_ =	shalt  }
0x68: {  	_ =	shalt  }
0x69: {  	_ =	shalt  }
0x6a: {  	_ =	shalt  }
0x6b: {  	_ =	shalt  }
0x6c: {  	_ =	shalt  }
0x6d: {  	_ =	shalt  }
0x6e: {  	_ =	shalt  }
0x6f: {  	_ =	shalt  }
0x70: {  	_ =	shalt  }
0x71: {  	_ =	shalt  }
0x72: {  	_ =	shalt  }
0x73: {  	_ =	shalt  }
0x74: {  	_ =	shalt  }
0x75: {  	_ =	shalt  }
0x76: {  	_ =	shalt  }
0x77: {  	_ =	shalt  }
0x78: {  	_ =	shalt  }
0x79: {  	_ =	shalt  }
0x7a: {  	_ =	shalt  }
0x7b: {  	_ =	shalt  }
0x7c: {  	_ =	shalt  }
0x7d: {  	_ =	shalt  }
0x7e: {  	_ =	shalt  }
0x7f: {  	_ =	shalt  }
0x80: {  	_ =	shalt  }
0x81: {  	_ =	shalt  }
0x82: {  	_ =	shalt  }
0x83: {  	_ =	shalt  }
0x84: {  	_ =	shalt  }
0x85: {  	_ =	shalt  }
0x86: {  	_ =	shalt  }
0x87: {  	_ =	shalt  }
.Lfunc_end0:
.L_simem_size_0:
called_computation_lowered:
.L_overlay_start_0:
0x88: {  	s2 =	sld [smem:$0x3FD9]  }
0x89: {  	s3 =	sld [smem:$0x3FFE];
	_ =	sdelay $0x1  }
0x8a: {  	s1 =	srdreg.scid  }
0x8b: {  	s0 =	sand.u32 $0x1, s1  }
0x8c: {  	s17 =	sshll.u32 s0, $0xA;
	s2 =	sadd.s32 s3, s2  }
0x8d: {  	s2 =	sadd.s32 s2, s17  }
0x8e: {  	[smem:$0x3FC4] =	sst s2  }
0x8f: {  	_ = 	snop  }
0x90: {  	s2 =	sld [smem:$0x3FC9]  }
0x91: {  	s18 =	sld [smem:$0x3FD0];
	(tm) =	ssettm $0x1  }
0x92: {  	s4 =	sld [smem:$0x3FFB];
	_ =	sdelay $0x3  }
0x93: {  	_ =	strace s4  }
0x94: {  	s4 =	sld [smem:$0x3FFC];
	_ =	sdelay $0x3  }
0x95: {  	_ =	strace s4  }
0x96: {  	s4 =	sld [smem:$0x3FFD];
	_ =	sdelay $0x3  }
0x97: {  	_ =	strace s4  }
0x98: {  	_ =	strace $0x8FFFFFFF  }
0x99: {  	s19 =	sld [smem:$0x3FDB];
	_ =	sdelay $0x1  }
0x9a: {  	s5 =	simm.s32 $_scs_section_size  }
0x9b: {  	s6 =	simm.s32 $_size__tile_overlayer_lowered;
	s7 =	simm.s32 $_tile_overlayer_lowered  }
0x9c: {  	s22 =	simm.s32 $0x1BFF;
	s21 =	sshll.u32 s7, $0x1;
	s4 =	sadd.s32 s5, s19  }
0x9d: {  	s8 =	simm.s32 $0x0;
	s20 =	sshll.u32 s6, $0x1;
	s6 =	sadd.s32 s21, s4  }
0x9e: {  	[timem:s8], [sflag:s22] =	dma.local [hbm:s6], s20  }
0x9f: {  	_ =	swait.ge [sflag:s22], s20  }
0xa0: {  	s5 =	ssub.s32 $0x0, s20;
	[sflag:s22] =	ssyncset.done $0x0  }
0xa1: {  	[sflag:s22] =	ssyncadd.s32 s5;
	_ =	sdelay $0x1  }
0xa2: {  	s23 =	simm.s32 $0x1B8B  }
0xa3: {  	_ =	swait.ge [sflag:s23], $0x1  }
0xa4: {  	[sflag:s23] =	ssyncset.done $0x0  }
0xa5: {  	s25 =	simm.s32 $0x1B8E;
	s24 =	sld [smem:$0x3FFE];
	[sflag:s23] =	ssyncadd.s32 $0xFFFFFFFF  }
0xa6: {  	s26 =	simm.s32 $execute0_lowered;
	[smem:$0x3FD2] =	sst s25  }
0xa7: {  	s6 =	sshll.u32 s26, $0x1;
	_ =	strace $0x80000046;
	[dreg:$0x1] =	wrdreg $0xFFFFFFFF  }
0xa8: {  	s28 =	simm.s32 $_size_execute0_lowered;
	s4 =	sadd.s32 s4, s6;
	[dreg:$0x0] =	wrdreg $0x0  }
0xa9: {  	s6 =	sshll.u32 s28, $0x1;
	[dreg:$0x2] =	wrdreg s4  }
0xaa: {  	[dreg:$0x3] =	wrdreg s6  }
0xab: {  	[dreg:$0x4] =	wrdreg $0xC0  }
0xac: {  	_ =	task [dreg:s8], $0x5FFFF  }
0xad: {  	[dreg:$0x1] =	wrdreg $0xFFFFFFFF  }
0xae: {  	[dreg:$0x0] =	wrdreg $0x60  }
0xaf: {  	[dreg:$0x2] =	wrdreg s2  }
0xb0: {  	[dreg:$0x3] =	wrdreg s24  }
0xb1: {  	[dreg:$0x4] =	wrdreg s18  }
0xb2: {  	[dreg:$0x5] =	wrdreg $0x41000  }
0xb3: {  	[dreg:$0x6] =	wrdreg $0x9  }
0xb4: {  	_ =	task.clear_ibuf [dreg:s8], $0x7FFFF;
	_ =	strace $0x90000046  }
0xb5: {  	s29 =	simm.s32 $0x9;
	_ =	strace $0x80000048  }
0xb6: {  	_ =	swait.ge [sflag:s29], $0x1  }
0xb7: {  	[sflag:s29] =	ssyncadd.s32 $0xFFFFFFFF  }
0xb8: {  	_ =	strace $0x90000048  }
0xb9: {  	_ =	sfence  }
0xba: {  	s30 =	sld [smem:$0x0];
	_ =	sdelay $0x2  }
0xbb: {  	s31 =	sshll.u32 s1, $0xD;
	s1 =	sshrl.u32 s1, $0x2  }
0xbc: {  	s3 =	sand.u32 $0x4000, s31;
	s1 =	sadd.s32 s1, s30  }
0xbd: {  	s0 =	sor.u32 s3, s0;
	s1 =	sshll.u32 s1, $0x11  }
0xbe: {  	s0 =	sor.u32 s1, s0  }
0xbf: {  	s0 =	sadd.s32 $0x8F2B, s0  }
0xc0: {  	[sflag:s0] =	ssyncadd.remote.s32 $0x1  }
0xc1: {  	_ =	sfence.sel $0xFFFF  }
0xc2: {  	[dreg:$0x0] =	wrdreg $0xFFFFFFFF;
	(pc) =	sbr.abs _section_cstart, $3  }
0xc3: {  	[dreg:$0x1] =	wrdreg $0xFFFFFFFF  }
0xc4: {  	_ =	task.clear_ibuf [dreg:s8], $0x2FFFF;
	_ =	strace $0x9FFFFFFF  }
0xc5: {  	(tm) =	ssettm $0x7FFFFFFF  }
tec
execute0_lowered:
.L_overlay_start_1:
0x0: {  	(tag) =	ssettag $0x1  }
0x1: {  	s11 =	rddreg [dreg:$0x0]  }
0x2: {  	s6 =	rddreg [dreg:$0x1]  }
0x3: {  	s1 =	srdreg.scid;
	s2 =	rddreg [dreg:$0x2]  }
0x4: {  	s0 =	stileid.u32;
	s3 =	rddreg [dreg:$0x3]  }
0x5: {  	s4 =	simm.s32 $0x0;
	s12 =	sand.u32 $0x1, s1;
	s1 =	rddreg [dreg:$0x4]  }
0x6: {  	s5 =	sshll.u32 s0, $0x5;
	[smem:$0x7FF] =	sst s4  }
0x7: {  	s8 =	sshll.u32 s0, $0x9;
	s29 =	sshll.u32 s0, $0x1;
	s16 =	sshll.u32 s0, $0xC  }
0x8: {  	s7 =	sshll.u32 s12, $0x4;
	_ =	strace $0x80000047;
	s28 =	ssub.s32 $0x2, s12  }
0x9: {  	s10 =	sadd.s32 s8, s6;
	s30 =	sshll.u32 s12, $0xD;
	s8 =	sadd.s32 $0x186800, s11  }
0xa: {  	s31 =	sadd.s32 s16, s11;
	s13 =	sor.u32 s7, s5;
	s9 =	sshrl.u32 s28, $0x1  }
0xb: {  	s7 =	sadd.s32 s16, s3;
	s5 =	sand.u32 $0x180, s13;
	s15 =	ssub.s32 s28, s9  }
0xc: {  	s9 =	sadd.s32 s30, s10;
	s13 =	sand.u32 $0x70, s13;
	s14 =	sadd.s32 s5, s6  }
0xd: {  	s5 =	sadd.s32 $0xA00, s6;
	s6 =	sor.u32 s12, s29;
	s9 =	sadd.s32 $0x3E00, s9  }
0xe: {  	s10 =	smax.u32 s15, $0x1;
	s12 =	sshll.u32 s12, $0xB;
	s15 =	simm.s32 $0x0  }
0xf: {  	s13 =	sadd.s32 s13, s14;
	s12 =	sadd.s32 s12, s31;
	s14 =	simm.s32 $0x1  }
0x10: {  	p0 =	sne.s32 s6, $0x1F;
	s11 =	sadd.s32 $0xC00, s13;
	s13 =	simm.s32 $0x100  }
.LBB2_1:
0x11: {  	[tilespmem:s13], [sflag:$0x1] =	stream.linear.gather [hbm4b:s2+s4], $0x1000, $0x38;
	[tilespmem:$0x5100] =	vst v63  }
0x12: {  	_ =	swait.ge [sflag:s14], $0x1000  }
0x13: {  	[sflag:s14] =	ssyncset.done $0x0  }
0x14: {  	[sflag:s14] =	ssyncadd.s32 $0xFFFFF000  }
0x15: {  	[spmem:s7] =	stream.linear.scatter [tilespmem:s13], [sflag:$0x1], $0x1000, $0x38;
	[tilespmem:$0x5100] =	vst v63  }
0x16: {  	_ =	swait.ge [sflag:s14], $0x1000  }
0x17: {  	s16 =	sadd.s32 $0x0, s6;
	[sflag:s14] =	ssyncset.done $0x0  }
0x18: {  	p1 =	sgt.u32 s16, $0x30C;
	[sflag:s14] =	ssyncadd.s32 $0xFFFFF000  }
0x19: {  	s16 =	simm.s32 @!p1 $0x0;
	s18 =	simm.s32 @!p1 $0x2;
	[bflag:$0x0] =	sbarrier.arrive $0xFFFF  }
0x1a: {  	[tilespmem:s16], [sflag:$0x2] =	stream.linear.gather @!p1 [hbm4b:s11+s16], $0x80, $0x38;
	[tilespmem:$0x5100] =	vst v63  }
0x1b: {  	_ =	swait.ge @!p1 [sflag:s18], $0x80  }
0x1c: {  	[sflag:s18] =	ssyncset.done @!p1 $0x0;
	p1 =	por p1, p1  }
0x1d: {  	[sflag:s18] =	ssyncadd.s32 @!p1 $0xFFFFFF80;
	s20 =	simm.s32 @!p1 $0x100  }
0x1e: {  	[tilespmem:s20], [sflag:$0x2] =	stream.linear.gather @!p1 [hbm4b:s12+s16], $0x4000, $0x38;
	[tilespmem:$0x5100] =	vst v63  }
0x1f: {  	_ =	swait.ge @!p1 [sflag:s18], $0x4000  }
0x20: {  	s31 =	sadd.s32 $0x20, s6;
	[sflag:s18] =	ssyncset.done @!p1 $0x0  }
0x21: {  	s19 =	simm.s32 @!p1 $0x1;
	[sflag:s18] =	ssyncadd.s32 @!p1 $0xFFFFC000;
	s18 =	simm.s32 @!p1 $0x80  }
0x22: {  	[spmem:s3] =	stream.indirect.scatter.add.f32 @!p1 [tilespmem:s20], [sflag:$0x1], $0x80, s16, s18, $0xb8;
	[tilespmem:$0x5100] =	vst v63  }
0x23: {  	s17 =	simm.s32 $0x40;
	p2 =	sgt.u32 s31, $0x30C;
	_ =	swait.ge @!p1 [sflag:s19], $0x4000  }
0x24: {  	s16 =	sadd.s32 $0x10000, s12;
	s18 =	sadd.s32 $0x200, s11;
	[sflag:s19] =	ssyncset.done @!p1 $0x0  }
.LBB2_2:
0x25: {  	s20 =	simm.s32 @!p2 $0x0;
	s21 =	simm.s32 @!p2 $0x2;
	[sflag:s19] =	ssyncadd.s32 @!p1 $0xFFFFC000  }
0x26: {  	[tilespmem:s20], [sflag:$0x2] =	stream.linear.gather @!p2 [hbm4b:s18+s20], $0x80, $0x38;
	[tilespmem:$0x5100] =	vst v63  }
0x27: {  	s22 =	smov.u32 s17;
	s17 =	sadd.s32 $0x20, s17;
	_ =	swait.ge @!p2 [sflag:s21], $0x80  }
0x28: {  	p1 =	por p2, p2;
	p3 =	sne.s32 s17, $0x320;
	[sflag:s21] =	ssyncset.done @!p2 $0x0  }
0x29: {  	s23 =	simm.s32 @!p1 $0x100;
	[sflag:s21] =	ssyncadd.s32 @!p1 $0xFFFFFF80  }
0x2a: {  	[tilespmem:s23], [sflag:$0x2] =	stream.linear.gather @!p1 [hbm4b:s16+s20], $0x4000, $0x38;
	[tilespmem:$0x5100] =	vst v63  }
0x2b: {  	_ =	swait.ge @!p1 [sflag:s21], $0x4000  }
.Ltmp0:
0x2c: {  	[sflag:s21] =	ssyncset.done @!p1 $0x0;
	(pc) =	sbr.rel @p3 .LBB2_2-.Ltmp0, $4  }
0x2d: {  	s19 =	simm.s32 @!p1 $0x1;
	[sflag:s21] =	ssyncadd.s32 @!p1 $0xFFFFC000;
	s21 =	simm.s32 @!p1 $0x80  }
0x2e: {  	[spmem:s3] =	stream.indirect.scatter.add.f32 @!p1 [tilespmem:s23], [sflag:$0x1], $0x80, s20, s21, $0xb8;
	[tilespmem:$0x5100] =	vst v63  }
0x2f: {  	s16 =	sadd.s32 $0x10000, s16;
	s20 =	sadd.s32 s22, s6;
	_ =	swait.ge @!p1 [sflag:s19], $0x4000  }
0x30: {  	s18 =	sadd.s32 $0x200, s18;
	p2 =	sgt.u32 s20, $0x30C;
	[sflag:s19] =	ssyncset.done @!p1 $0x0  }
0x31: {  	s17 =	simm.s32 @!p2 $0x0;
	s20 =	simm.s32 @!p2 $0x2;
	[sflag:s19] =	ssyncadd.s32 @!p1 $0xFFFFC000  }
0x32: {  	[tilespmem:s17], [sflag:$0x2] =	stream.linear.gather @!p2 [hbm4b:s18+s17], $0x80, $0x38;
	[tilespmem:$0x5100] =	vst v63  }
0x33: {  	_ =	swait.ge @!p2 [sflag:s20], $0x80  }
0x34: {  	p1 =	por p2, p2;
	[sflag:s20] =	ssyncset.done @!p2 $0x0  }
0x35: {  	s18 =	simm.s32 @!p1 $0x100;
	[sflag:s20] =	ssyncadd.s32 @!p1 $0xFFFFFF80  }
0x36: {  	[tilespmem:s18], [sflag:$0x2] =	stream.linear.gather @!p1 [hbm4b:s16+s17], $0x4000, $0x38;
	[tilespmem:$0x5100] =	vst v63  }
0x37: {  	_ =	swait.ge @!p1 [sflag:s20], $0x4000  }
0x38: {  	[sflag:s20] =	ssyncset.done @!p1 $0x0  }
0x39: {  	s19 =	simm.s32 @!p1 $0x1;
	s16 =	simm.s32 @!p1 $0x80;
	[sflag:s20] =	ssyncadd.s32 @!p1 $0xFFFFC000  }
0x3a: {  	[spmem:s3] =	stream.indirect.scatter.add.f32 @!p1 [tilespmem:s18], [sflag:$0x1], $0x80, s17, s16, $0xb8;
	[tilespmem:$0x5100] =	vst v63  }
0x3b: {  	_ =	swait.ge @!p1 [sflag:s19], $0x4000  }
0x3c: {  	s16 =	simm.s32 @!p0 $0x0;
	[sflag:s19] =	ssyncset.done @!p1 $0x0  }
0x3d: {  	s17 =	simm.s32 @!p0 $0x80;
	s18 =	simm.s32 @!p0 $0x1;
	[sflag:s19] =	ssyncadd.s32 @!p1 $0xFFFFC000  }
0x3e: {  	[tilespmem:s17], [sflag:$0x1] =	stream.linear.gather @!p0 [hbm4b:s5+s16], $0x80, $0x38;
	[tilespmem:$0x5100] =	vst v63  }
0x3f: {  	_ =	swait.ge @!p0 [sflag:s18], $0x80  }
0x40: {  	[sflag:s18] =	ssyncset.done @!p0 $0x0  }
0x41: {  	s19 =	simm.s32 @!p0 $0x100;
	[sflag:s18] =	ssyncadd.s32 @!p0 $0xFFFFFF80  }
0x42: {  	[tilespmem:s19], [sflag:$0x1] =	stream.linear.gather @!p0 [hbm4b:s8+s16], $0x1000, $0x38;
	[tilespmem:$0x5100] =	vst v63  }
0x43: {  	_ =	swait.ge @!p0 [sflag:s18], $0x1000  }
0x44: {  	[sflag:s18] =	ssyncset.done @!p0 $0x0  }
0x45: {  	s16 =	simm.s32 @!p0 $0x20;
	[sflag:s18] =	ssyncadd.s32 @!p0 $0xFFFFF000  }
0x46: {  	[spmem:s3] =	stream.indirect.scatter.add.f32 @!p0 [tilespmem:s19], [sflag:$0x1], $0x80, s17, s16, $0xb8;
	[tilespmem:$0x5100] =	vst v63  }
0x47: {  	_ =	swait.ge @!p0 [sflag:s18], $0x1000  }
0x48: {  	[sflag:s18] =	ssyncset.done @!p0 $0x0  }
0x49: {  	[sflag:s18] =	ssyncadd.s32 @!p0 $0xFFFFF000  }
0x4a: {  	[bflag:$0x0] =	sbarrier.arrive $0xFFFF  }
0x4b: {  	[tilespmem:s13], [sflag:$0x1] =	stream.linear.gather [spmem:s7], $0x1000, $0x38;
	[tilespmem:$0x5100] =	vst v63  }
0x4c: {  	s15 =	sadd.s32 $0x1, s15;
	_ =	swait.ge [sflag:s14], $0x1000  }
0x4d: {  	p1 =	sne.s32 s15, s10;
	[sflag:s14] =	ssyncset.done $0x0  }
.Ltmp1:
0x4e: {  	[sflag:s14] =	ssyncadd.s32 $0xFFFFF000;
	(pc) =	sbr.rel @p1 .LBB2_1-.Ltmp1, $4  }
0x4f: {  	[hbm4b:s9+s4] =	stream.linear.scatter [tilespmem:s13], [sflag:$0x1], $0x1000, $0x38;
	[tilespmem:$0x5100] =	vst v63  }
0x50: {  	_ =	swait.ge [sflag:s14], $0x1000  }
0x51: {  	[sflag:s14] =	ssyncset.done $0x0  }
0x52: {  	[sflag:s14] =	ssyncadd.s32 $0xFFFFF000  }
0x53: {  	_ =	sfence.sel $0x180000  }
0x54: {  	[bflag:$0x0] =	sbarrier.arrive $0xFFFF  }
0x55: {  	p0 =	sne.s32 s0, $0x0;
	_ =	strace $0x90000047  }
0x56: {  	s0 =	sadd.s32 @!p0 $0x100000, s1;
	[bflag:$0x2] =	sbarrier.arrive $0xFFFF  }
0x57: {  	[sflag:s0] =	ssyncadd.tile.s32 @!p0 $0x1;
	_ =	shalt  }
.Lfunc_end2:
_tile_overlayer_lowered:
.L_overlay_start_2:
0x58: {  	(tag) =	ssettag $0x2  }
0x59: {  	s0 =	rddreg [dreg:$0x0];
	s2 =	stileid.u32  }
0x5a: {  	s1 =	rddreg [dreg:$0x1];
	p0 =	sne.s32 s2, $0x0  }
0x5b: {  	s3 =	rddreg [dreg:$0x2];
	[bflag:$0x3] =	sbarrier.arrive $0xFFFF;
	s2 =	simm.s32 @!p0 $0x1C01  }
0x5c: {  	[timem:s3], [sflag:s2] =	dma.local @!p0 [hbm:s0], s1  }
0x5d: {  	s0 =	simm.s32 @!p0 $0x1  }
0x5e: {  	_ =	swait.ge @!p0 [sflag:s0], s1  }
0x5f: {  	s1 =	ssub.s32 @!p0 $0x0, s1;
	[sflag:s0] =	ssyncset.done @!p0 $0x0  }
0x60: {  	[sflag:s0] =	ssyncadd.s32 @!p0 s1  }
0x61: {  	[bflag:$0x3] =	sbarrier.arrive $0xFFFF  }
0x62: {  	_ =	shalt  }

</sc_bundles>
